<compile_context>
chip_gen: v7x
topology: tpu7x:2x2x1
jax: 0.10.2.dev20260603
libtpu: 0.0.44.dev20260713+nightly
codegen_flags: <defaults>
</compile_context>

<pallas_src>
import jax
import jax.numpy as jnp
from jax import lax
from jax.experimental import pallas as pl
from jax.experimental.pallas import tpu as pltpu

_IOU_T = 0.7
_B = 512
_CB = 2048


def _iou_tile(rx1, ry1, rx2, ry2, ra, cx1, cy1, cx2, cy2, ca):
    ltx = jnp.maximum(rx1, cx1)
    lty = jnp.maximum(ry1, cy1)
    rbx = jnp.minimum(rx2, cx2)
    rby = jnp.minimum(ry2, cy2)
    wx = jnp.maximum(rbx - ltx, 0.0)
    wy = jnp.maximum(rby - lty, 0.0)
    inter = wx * wy
    union = ra + ca - inter
    return inter / jnp.maximum(union, 1e-8)


def _nms_body(p_ref, keep_ref, area_ref):
    NP = p_ref.shape[1]
    NB = NP // _B
    keep_ref[...] = jnp.ones((1, NP), jnp.float32)
    area_ref[...] = ((p_ref[2:3, :] - p_ref[0:1, :]) *
                     (p_ref[3:4, :] - p_ref[1:2, :]))

    ii = lax.broadcasted_iota(jnp.int32, (_B, _B), 0)
    jj = lax.broadcasted_iota(jnp.int32, (_B, _B), 1)
    tri = ii < jj

    def outer(i, carry):
        base = i * _B
        bx1 = p_ref[0:1, pl.ds(base, _B)]
        by1 = p_ref[1:2, pl.ds(base, _B)]
        bx2 = p_ref[2:3, pl.ds(base, _B)]
        by2 = p_ref[3:4, pl.ds(base, _B)]
        ba = area_ref[:, pl.ds(base, _B)]
        rx1 = jnp.transpose(bx1)
        ry1 = jnp.transpose(by1)
        rx2 = jnp.transpose(bx2)
        ry2 = jnp.transpose(by2)
        ra = (rx2 - rx1) * (ry2 - ry1)

        iou_ii = _iou_tile(rx1, ry1, rx2, ry2, ra, bx1, by1, bx2, by2, ba)
        sup_ii = jnp.where((iou_ii > _IOU_T) & tri, 1.0, 0.0)

        a0 = keep_ref[:, pl.ds(base, _B)]

        def fix_cond(st):
            return st[1]

        def fix_body(st):
            kept, _ = st
            supp = jnp.dot(kept, sup_ii, preferred_element_type=jnp.float32)
            new = jnp.where(supp > 0.5, 0.0, a0)
            return (new, jnp.any(new != kept))

        kept, _ = lax.while_loop(fix_cond, fix_body, (a0, jnp.bool_(True)))
        keep_ref[:, pl.ds(base, _B)] = kept

        def cross(c, kept_):
            cb = c * _CB
            cx1 = p_ref[0:1, pl.ds(cb, _CB)]
            cy1 = p_ref[1:2, pl.ds(cb, _CB)]
            cx2 = p_ref[2:3, pl.ds(cb, _CB)]
            cy2 = p_ref[3:4, pl.ds(cb, _CB)]
            ca = area_ref[:, pl.ds(cb, _CB)]
            iou_ic = _iou_tile(rx1, ry1, rx2, ry2, ra, cx1, cy1, cx2, cy2, ca)
            sup = jnp.where(iou_ic > _IOU_T, 1.0, 0.0)
            supp = jnp.dot(kept_, sup, preferred_element_type=jnp.float32)
            col = cb + lax.broadcasted_iota(jnp.int32, (1, _CB), 1)
            valid = col >= base + _B
            cur = keep_ref[:, pl.ds(cb, _CB)]
            keep_ref[:, pl.ds(cb, _CB)] = jnp.where(
                (supp > 0.5) & valid, 0.0, cur)
            return kept_

        lax.fori_loop((base + _B) // _CB, NP // _CB, cross, kept)
        return carry

    lax.fori_loop(0, NB, outer, 0)


@jax.jit
def kernel(boxes, scores):
    n = boxes.shape[0]
    order = jnp.argsort(-scores)
    boxes_s = boxes[order]

    NP = ((n + _CB - 1) // _CB) * _CB
    p8 = jnp.zeros((8, NP), jnp.float32).at[:4, :n].set(boxes_s.T)

    keep_f = pl.pallas_call(
        _nms_body,
        out_shape=jax.ShapeDtypeStruct((1, NP), jnp.float32),
        scratch_shapes=[pltpu.VMEM((1, NP), jnp.float32)],
    )(p8)

    keep_sorted = keep_f[0, :n] > 0.5
    keep = jnp.zeros((n,), jnp.bool_).at[order].set(keep_sorted)
    kept_scores = jnp.where(keep, scores, 0.0)
    return kept_scores, keep

# --- scband reference (transcript-rebuilt; emitter-appended) ---
"""Pipeline reference for scband-sam3-model-37469294690377 (READ-ONLY COPY).

The authoritative reference and input builder live on the scoring server;
editing this copy changes nothing except your own understanding.
"""

import jax, jax.numpy as jnp
import numpy as np

N = 20000
IOU_THRESH = 0.7


def setup_inputs(seed: int = 0) -> dict:
    key = jax.random.key(seed)
    k1, k2, k3 = jax.random.split(key, 3)
    # realistic boxes: random top-left corner on a ~1024px canvas, positive width/height
    xy = jax.random.uniform(k1, (N, 2), dtype=jnp.float32) * 1024.0
    wh = jax.random.uniform(k2, (N, 2), dtype=jnp.float32) * 120.0 + 4.0
    boxes = jnp.concatenate([xy, xy + wh], axis=-1)
    scores = jax.random.uniform(k3, (N,), dtype=jnp.float32)
    return {"boxes": boxes, "scores": scores}


def _box_iou_one(box, boxes):
    # IoU of one box [4] against all boxes [N,4]; mirrors box_iou in the source
    area1 = (box[2] - box[0]) * (box[3] - box[1])
    area2 = (boxes[:, 2] - boxes[:, 0]) * (boxes[:, 3] - boxes[:, 1])
    lt = jnp.maximum(box[:2], boxes[:, :2])
    rb = jnp.minimum(box[2:], boxes[:, 2:])
    wh = jnp.clip(rb - lt, 0.0, None)
    inter = wh[:, 0] * wh[:, 1]
    union = area1 + area2 - inter
    return inter / jnp.clip(union, 1e-8, None)


def _nms_keep(boxes, scores, iou_threshold):
    # Greedy NMS identical in semantics to nms_masks: sort by score desc,
    # keep the highest-scoring active box, suppress overlapping later boxes.
    n = boxes.shape[0]
    order = jnp.argsort(-scores)
    boxes_s = boxes[order]
    idxs = jnp.arange(n)

    def body(i, state):
        active, keep = state
        is_active = active[i]
        keep = keep.at[i].set(is_active)
        ious = _box_iou_one(boxes_s[i], boxes_s)
        suppress = (ious > iou_threshold) & is_active & (idxs > i)
        active = active & (~suppress)
        return (active, keep)

    active0 = jnp.ones((n,), dtype=bool)
    keep0 = jnp.zeros((n,), dtype=bool)
    _, keep_sorted = jax.lax.fori_loop(0, n, body, (active0, keep0))
    # scatter keep flags back to original box order
    keep = jnp.zeros((n,), dtype=bool).at[order].set(keep_sorted)
    return keep


def reference(boxes, scores):
    keep = _nms_keep(boxes, scores, IOU_THRESH)
    # scores of surviving boxes (zeroed for suppressed) + boolean keep mask
    kept_scores = jnp.where(keep, scores, 0.0)
    return kept_scores, keep

if __name__ == "__main__":
    import jax
    _d = setup_inputs()
    print(jax.jit(kernel)(*tuple(_d.values())))

</pallas_src>

<mosaic_0001>
module attributes {stable_mosaic.version = 14 : i64} {
  func.func @_nms_body(%arg0: memref<8x20480xf32, #tpu.memory_space<vmem>>, %arg1: memref<1x20480xf32, #tpu.memory_space<vmem>>, %arg2: memref<1x20480xf32, #tpu.memory_space<vmem>>) attributes {dimension_semantics = [], scalar_prefetch = 0 : i64, scratch_operands = 1 : i64, tpu.core_type = #tpu.core_type<tc>} {
    %broadcast_in_dim3A = arith.constant 1.000000e+00 : f32
    %broadcast_in_dim3A_0 = vector.broadcast %broadcast_in_dim3A : f32 to vector<1x20480xf32>
    %swap3A = arith.constant 0 : index
    %swap3A_1 = arith.constant 0 : index
    %swap3A_2 = vector.load %arg1[%swap3A, %swap3A_1] : memref<1x20480xf32, #tpu.memory_space<vmem>>, vector<1x20480xf32>
    tpu.vector_store %arg1[%swap3A, %swap3A_1], %broadcast_in_dim3A_0 {strides = array<i32>} : memref<1x20480xf32, #tpu.memory_space<vmem>>, vector<1x20480xf32>,
    %get3A = arith.constant 2 : index
    %get3A_3 = arith.constant 0 : index
    %get3A_4 = vector.load %arg0[%get3A, %get3A_3] : memref<8x20480xf32, #tpu.memory_space<vmem>>, vector<1x20480xf32>
    %get3A_5 = arith.constant 0 : index
    %get3A_6 = arith.constant 0 : index
    %get3A_7 = vector.load %arg0[%get3A_5, %get3A_6] : memref<8x20480xf32, #tpu.memory_space<vmem>>, vector<1x20480xf32>
    %sub3A = arith.subf %get3A_4, %get3A_7 : vector<1x20480xf32>
    %get3A_8 = arith.constant 3 : index
    %get3A_9 = arith.constant 0 : index
    %get3A_10 = vector.load %arg0[%get3A_8, %get3A_9] : memref<8x20480xf32, #tpu.memory_space<vmem>>, vector<1x20480xf32>
    %get3A_11 = arith.constant 1 : index
    %get3A_12 = arith.constant 0 : index
    %get3A_13 = vector.load %arg0[%get3A_11, %get3A_12] : memref<8x20480xf32, #tpu.memory_space<vmem>>, vector<1x20480xf32>
    %sub3A_14 = arith.subf %get3A_10, %get3A_13 : vector<1x20480xf32>
    %mul3A = arith.mulf %sub3A, %sub3A_14 : vector<1x20480xf32>
    %swap3A_15 = arith.constant 0 : index
    %swap3A_16 = arith.constant 0 : index
    %swap3A_17 = vector.load %arg2[%swap3A_15, %swap3A_16] : memref<1x20480xf32, #tpu.memory_space<vmem>>, vector<1x20480xf32>
    tpu.vector_store %arg2[%swap3A_15, %swap3A_16], %mul3A {strides = array<i32>} : memref<1x20480xf32, #tpu.memory_space<vmem>>, vector<1x20480xf32>,
    %iota3A = tpu.iota {dimensions = array<i32: 0>} : vector<512x512xi32>
    %iota3A_18 = tpu.iota {dimensions = array<i32: 1>} : vector<512x512xi32>
    %lt3A = arith.cmpi slt, %iota3A, %iota3A_18 : vector<512x512xi32>
    %scan3A = arith.constant 0 : i32
    %scan3A_19 = arith.constant 40 : i32
    %scan3A_20 = arith.addi %scan3A, %scan3A_19 : i32
    %scan3A_21 = arith.constant 1 : i32
    scf.for %scan3A_23 = %scan3A to %scan3A_20 step %scan3A_21  : i32 {
      %mul3A_24 = arith.constant 512 : i32
      %mul3A_25 = arith.muli %scan3A_23, %mul3A_24 : i32
      %get3A_26 = arith.constant 0 : index
      %get3A_27 = arith.index_cast %mul3A_25 : i32 to index
      %get3A_28 = vector.load %arg0[%get3A_26, %get3A_27] : memref<8x20480xf32, #tpu.memory_space<vmem>>, vector<1x512xf32>
      %get3A_29 = arith.constant 1 : index
      %get3A_30 = arith.index_cast %mul3A_25 : i32 to index
      %get3A_31 = vector.load %arg0[%get3A_29, %get3A_30] : memref<8x20480xf32, #tpu.memory_space<vmem>>, vector<1x512xf32>
      %get3A_32 = arith.constant 2 : index
      %get3A_33 = arith.index_cast %mul3A_25 : i32 to index
      %get3A_34 = vector.load %arg0[%get3A_32, %get3A_33] : memref<8x20480xf32, #tpu.memory_space<vmem>>, vector<1x512xf32>
      %get3A_35 = arith.constant 3 : index
      %get3A_36 = arith.index_cast %mul3A_25 : i32 to index
      %get3A_37 = vector.load %arg0[%get3A_35, %get3A_36] : memref<8x20480xf32, #tpu.memory_space<vmem>>, vector<1x512xf32>
      %get3A_38 = arith.constant 0 : index
      %get3A_39 = arith.index_cast %mul3A_25 : i32 to index
      %get3A_40 = vector.load %arg2[%get3A_38, %get3A_39] : memref<1x20480xf32, #tpu.memory_space<vmem>>, vector<1x512xf32>
      %transpose3A = tpu.transpose %get3A_28, [1, 0] : vector<1x512xf32> -> vector<512x1xf32>
      %transpose3A_41 = tpu.transpose %get3A_31, [1, 0] : vector<1x512xf32> -> vector<512x1xf32>
      %transpose3A_42 = tpu.transpose %get3A_34, [1, 0] : vector<1x512xf32> -> vector<512x1xf32>
      %transpose3A_43 = tpu.transpose %get3A_37, [1, 0] : vector<1x512xf32> -> vector<512x1xf32>
      %sub3A_44 = arith.subf %transpose3A_42, %transpose3A : vector<512x1xf32>
      %sub3A_45 = arith.subf %transpose3A_43, %transpose3A_41 : vector<512x1xf32>
      %mul3A_46 = arith.mulf %sub3A_44, %sub3A_45 : vector<512x1xf32>
      %max3A = vector.broadcast %transpose3A : vector<512x1xf32> to vector<512x512xf32>
      %max3A_47 = vector.broadcast %get3A_28 : vector<1x512xf32> to vector<512x512xf32>
      %max3A_48 = arith.maximumf %max3A, %max3A_47 : vector<512x512xf32>
      %max3A_49 = vector.broadcast %transpose3A_41 : vector<512x1xf32> to vector<512x512xf32>
      %max3A_50 = vector.broadcast %get3A_31 : vector<1x512xf32> to vector<512x512xf32>
      %max3A_51 = arith.maximumf %max3A_49, %max3A_50 : vector<512x512xf32>
      %min3A = vector.broadcast %transpose3A_42 : vector<512x1xf32> to vector<512x512xf32>
      %min3A_52 = vector.broadcast %get3A_34 : vector<1x512xf32> to vector<512x512xf32>
      %min3A_53 = arith.minimumf %min3A, %min3A_52 : vector<512x512xf32>
      %min3A_54 = vector.broadcast %transpose3A_43 : vector<512x1xf32> to vector<512x512xf32>
      %min3A_55 = vector.broadcast %get3A_37 : vector<1x512xf32> to vector<512x512xf32>
      %min3A_56 = arith.minimumf %min3A_54, %min3A_55 : vector<512x512xf32>
      %sub3A_57 = arith.subf %min3A_53, %max3A_48 : vector<512x512xf32>
      %max3A_58 = arith.constant 0.000000e+00 : f32
      %max3A_59 = vector.broadcast %max3A_58 : f32 to vector<512x512xf32>
      %max3A_60 = arith.maximumf %sub3A_57, %max3A_59 : vector<512x512xf32>
      %sub3A_61 = arith.subf %min3A_56, %max3A_51 : vector<512x512xf32>
      %max3A_62 = arith.constant 0.000000e+00 : f32
      %max3A_63 = vector.broadcast %max3A_62 : f32 to vector<512x512xf32>
      %max3A_64 = arith.maximumf %sub3A_61, %max3A_63 : vector<512x512xf32>
      %mul3A_65 = arith.mulf %max3A_60, %max3A_64 : vector<512x512xf32>
      %add3A = vector.broadcast %mul3A_46 : vector<512x1xf32> to vector<512x512xf32>
      %add3A_66 = vector.broadcast %get3A_40 : vector<1x512xf32> to vector<512x512xf32>
      %add3A_67 = arith.addf %add3A, %add3A_66 : vector<512x512xf32>
      %sub3A_68 = arith.subf %add3A_67, %mul3A_65 : vector<512x512xf32>
      %max3A_69 = arith.constant 9.99999993E-9 : f32
      %max3A_70 = vector.broadcast %max3A_69 : f32 to vector<512x512xf32>
      %max3A_71 = arith.maximumf %sub3A_68, %max3A_70 : vector<512x512xf32>
      %div3A = arith.divf %mul3A_65, %max3A_71 : vector<512x512xf32>
      %gt3A = arith.constant 0.699999988 : f32
      %gt3A_72 = vector.broadcast %gt3A : f32 to vector<512x512xf32>
      %gt3A_73 = arith.cmpf ogt, %div3A, %gt3A_72 : vector<512x512xf32>
      %and3A = arith.andi %gt3A_73, %lt3A : vector<512x512xi1>
      %jit3A = arith.constant 1.000000e+00 : f32
      %jit3A_74 = arith.constant 0.000000e+00 : f32
      %broadcast_in_dim3A_75 = vector.broadcast %jit3A : f32 to vector<512x512xf32>
      %broadcast_in_dim3A_76 = vector.broadcast %jit3A_74 : f32 to vector<512x512xf32>
      %select_n3A = arith.select %and3A, %broadcast_in_dim3A_75, %broadcast_in_dim3A_76 : vector<512x512xi1>, vector<512x512xf32>
      %get3A_77 = arith.constant 0 : index
      %get3A_78 = arith.index_cast %mul3A_25 : i32 to index
      %get3A_79 = vector.load %arg1[%get3A_77, %get3A_78] : memref<1x20480xf32, #tpu.memory_space<vmem>>, vector<1x512xf32>
      %while3A = arith.constant true
      %while3A_80:2 = scf.while (%while3A_116 = %get3A_79, %while3A_117 = %while3A) : (vector<1x512xf32>, i1) -> (vector<1x512xf32>, i1) {
        scf.condition(%while3A_117) %while3A_116, %while3A_117 : vector<1x512xf32>, i1
      } do {
      ^bb0(%while3A_116: vector<1x512xf32>, %while3A_117: i1):
        %dot_general3A = arith.constant dense<0.000000e+00> : vector<1x512xf32>
        %dot_general3A_118 = tpu.matmul %while3A_116, %select_n3A, %dot_general3A {dimension_numbers = #tpu.dot_dimension_numbers<[1], [0], [0], [1], [0, 0, 1, 1], [], []>, transpose_lhs_hint = false} : vector<1x512xf32>, vector<512x512xf32>, vector<1x512xf32> -> vector<1x512xf32>
        %gt3A_119 = arith.constant 5.000000e-01 : f32
        %gt3A_120 = vector.broadcast %gt3A_119 : f32 to vector<1x512xf32>
        %gt3A_121 = arith.cmpf ogt, %dot_general3A_118, %gt3A_120 : vector<1x512xf32>
        %jit3A_122 = arith.constant 0.000000e+00 : f32
        %broadcast_in_dim3A_123 = vector.broadcast %jit3A_122 : f32 to vector<1x512xf32>
        %select_n3A_124 = arith.select %gt3A_121, %broadcast_in_dim3A_123, %get3A_79 : vector<1x512xi1>, vector<1x512xf32>
        %ne3A_125 = arith.cmpf one, %select_n3A_124, %while3A_116 : vector<1x512xf32>
        %reduce_or3A = arith.constant 1.000000e+00 : f32
        %reduce_or3A_126 = arith.constant 0.000000e+00 : f32
        %reduce_or3A_127 = vector.broadcast %reduce_or3A : f32 to vector<1x512xf32>
        %reduce_or3A_128 = vector.broadcast %reduce_or3A_126 : f32 to vector<1x512xf32>
        %reduce_or3A_129 = arith.select %ne3A_125, %reduce_or3A_127, %reduce_or3A_128 : vector<1x512xi1>, vector<1x512xf32>
        %reduce_or3A_130 = vector.shape_cast %reduce_or3A_129 : vector<1x512xf32> to vector<1x1x512xf32>
        %reduce_or3A_131 = arith.constant dense<0xFF800000> : vector<1xf32>
        %reduce_or3A_132 = vector.multi_reduction <maximumf>, %reduce_or3A_130, %reduce_or3A_131 [1, 2] : vector<1x1x512xf32> to vector<1xf32>
        %reduce_or3A_133 = vector.shape_cast %reduce_or3A_132 : vector<1xf32> to vector<1x1x1xf32>
        %reduce_or3A_134 = vector.extract %reduce_or3A_133[0, 0, 0] : f32 from vector<1x1x1xf32>
        %reduce_or3A_135 = arith.constant 0.000000e+00 : f32
        %reduce_or3A_136 = arith.cmpf ogt, %reduce_or3A_134, %reduce_or3A_135 : f32
        scf.yield %select_n3A_124, %reduce_or3A_136 : vector<1x512xf32>, i1
      }
      %swap3A_81 = arith.constant 0 : index
      %swap3A_82 = arith.index_cast %mul3A_25 : i32 to index
      %swap3A_83 = vector.load %arg1[%swap3A_81, %swap3A_82] : memref<1x20480xf32, #tpu.memory_space<vmem>>, vector<1x512xf32>
      tpu.vector_store %arg1[%swap3A_81, %swap3A_82], %while3A_80#0 {strides = array<i32>} : memref<1x20480xf32, #tpu.memory_space<vmem>>, vector<1x512xf32>,
      %add3A_84 = arith.constant 512 : i32
      %add3A_85 = arith.addi %mul3A_25, %add3A_84 : i32
      %jit3A_86 = arith.constant 2048 : i32
      %div3A_87 = arith.divsi %add3A_85, %jit3A_86 : i32
      %sign3A = arith.constant 0 : i32
      %sign3A_88 = arith.cmpi sgt, %add3A_85, %sign3A : i32
      %sign3A_89 = arith.extui %sign3A_88 : i1 to i32
      %sign3A_90 = arith.constant 0 : i32
      %sign3A_91 = arith.cmpi slt, %add3A_85, %sign3A_90 : i32
      %sign3A_92 = arith.extui %sign3A_91 : i1 to i32
      %sign3A_93 = arith.subi %sign3A_89, %sign3A_92 : i32
      %sign3A_94 = arith.constant 0 : i32
      %sign3A_95 = arith.cmpi sgt, %jit3A_86, %sign3A_94 : i32
      %sign3A_96 = arith.extui %sign3A_95 : i1 to i32
      %sign3A_97 = arith.constant 0 : i32
      %sign3A_98 = arith.cmpi slt, %jit3A_86, %sign3A_97 : i32
      %sign3A_99 = arith.extui %sign3A_98 : i1 to i32
      %sign3A_100 = arith.subi %sign3A_96, %sign3A_99 : i32
      %ne3A = arith.cmpi ne, %sign3A_93, %sign3A_100 : i32
      %rem3A = arith.remsi %add3A_85, %jit3A_86 : i32
      %ne3A_101 = arith.constant 0 : i32
      %ne3A_102 = arith.cmpi ne, %rem3A, %ne3A_101 : i32
      %and3A_103 = arith.andi %ne3A, %ne3A_102 : i1
      %sub3A_104 = arith.constant 1 : i32
      %sub3A_105 = arith.subi %div3A_87, %sub3A_104 : i32
      %select_n3A_106 = arith.select %and3A_103, %sub3A_105, %div3A_87 : i32
      %while3A_107 = arith.constant 10 : i32
      %while3A_108 = arith.subi %while3A_107, %select_n3A_106 : i32
      %while3A_109 = arith.addi %select_n3A_106, %while3A_108 : i32
      %while3A_110 = arith.constant 1 : i32
      %while3A_111 = arith.divsi %while3A_108, %while3A_110 : i32
      %while3A_112 = arith.muli %while3A_111, %while3A_110 : i32
      %while3A_113 = arith.addi %select_n3A_106, %while3A_112 : i32
      %while3A_114 = arith.constant 1 : i32
      scf.for %while3A_116 = %select_n3A_106 to %while3A_113 step %while3A_114  : i32 {
        %mul3A_117 = arith.constant 2048 : i32
        %mul3A_118 = arith.muli %while3A_116, %mul3A_117 : i32
        %get3A_119 = arith.constant 0 : index
        %get3A_120 = arith.index_cast %mul3A_118 : i32 to index
        %get3A_121 = vector.load %arg0[%get3A_119, %get3A_120] : memref<8x20480xf32, #tpu.memory_space<vmem>>, vector<1x2048xf32>
        %get3A_122 = arith.constant 1 : index
        %get3A_123 = arith.index_cast %mul3A_118 : i32 to index
        %get3A_124 = vector.load %arg0[%get3A_122, %get3A_123] : memref<8x20480xf32, #tpu.memory_space<vmem>>, vector<1x2048xf32>
        %get3A_125 = arith.constant 2 : index
        %get3A_126 = arith.index_cast %mul3A_118 : i32 to index
        %get3A_127 = vector.load %arg0[%get3A_125, %get3A_126] : memref<8x20480xf32, #tpu.memory_space<vmem>>, vector<1x2048xf32>
        %get3A_128 = arith.constant 3 : index
        %get3A_129 = arith.index_cast %mul3A_118 : i32 to index
        %get3A_130 = vector.load %arg0[%get3A_128, %get3A_129] : memref<8x20480xf32, #tpu.memory_space<vmem>>, vector<1x2048xf32>
        %get3A_131 = arith.constant 0 : index
        %get3A_132 = arith.index_cast %mul3A_118 : i32 to index
        %get3A_133 = vector.load %arg2[%get3A_131, %get3A_132] : memref<1x20480xf32, #tpu.memory_space<vmem>>, vector<1x2048xf32>
        %max3A_134 = vector.broadcast %transpose3A : vector<512x1xf32> to vector<512x2048xf32>
        %max3A_135 = vector.broadcast %get3A_121 : vector<1x2048xf32> to vector<512x2048xf32>
        %max3A_136 = arith.maximumf %max3A_134, %max3A_135 : vector<512x2048xf32>
        %max3A_137 = vector.broadcast %transpose3A_41 : vector<512x1xf32> to vector<512x2048xf32>
        %max3A_138 = vector.broadcast %get3A_124 : vector<1x2048xf32> to vector<512x2048xf32>
        %max3A_139 = arith.maximumf %max3A_137, %max3A_138 : vector<512x2048xf32>
        %min3A_140 = vector.broadcast %transpose3A_42 : vector<512x1xf32> to vector<512x2048xf32>
        %min3A_141 = vector.broadcast %get3A_127 : vector<1x2048xf32> to vector<512x2048xf32>
        %min3A_142 = arith.minimumf %min3A_140, %min3A_141 : vector<512x2048xf32>
        %min3A_143 = vector.broadcast %transpose3A_43 : vector<512x1xf32> to vector<512x2048xf32>
        %min3A_144 = vector.broadcast %get3A_130 : vector<1x2048xf32> to vector<512x2048xf32>
        %min3A_145 = arith.minimumf %min3A_143, %min3A_144 : vector<512x2048xf32>
        %sub3A_146 = arith.subf %min3A_142, %max3A_136 : vector<512x2048xf32>
        %max3A_147 = arith.constant 0.000000e+00 : f32
        %max3A_148 = vector.broadcast %max3A_147 : f32 to vector<512x2048xf32>
        %max3A_149 = arith.maximumf %sub3A_146, %max3A_148 : vector<512x2048xf32>
        %sub3A_150 = arith.subf %min3A_145, %max3A_139 : vector<512x2048xf32>
        %max3A_151 = arith.constant 0.000000e+00 : f32
        %max3A_152 = vector.broadcast %max3A_151 : f32 to vector<512x2048xf32>
        %max3A_153 = arith.maximumf %sub3A_150, %max3A_152 : vector<512x2048xf32>
        %mul3A_154 = arith.mulf %max3A_149, %max3A_153 : vector<512x2048xf32>
        %add3A_155 = vector.broadcast %mul3A_46 : vector<512x1xf32> to vector<512x2048xf32>
        %add3A_156 = vector.broadcast %get3A_133 : vector<1x2048xf32> to vector<512x2048xf32>
        %add3A_157 = arith.addf %add3A_155, %add3A_156 : vector<512x2048xf32>
        %sub3A_158 = arith.subf %add3A_157, %mul3A_154 : vector<512x2048xf32>
        %max3A_159 = arith.constant 9.99999993E-9 : f32
        %max3A_160 = vector.broadcast %max3A_159 : f32 to vector<512x2048xf32>
        %max3A_161 = arith.maximumf %sub3A_158, %max3A_160 : vector<512x2048xf32>
        %div3A_162 = arith.divf %mul3A_154, %max3A_161 : vector<512x2048xf32>
        %gt3A_163 = arith.constant 0.699999988 : f32
        %gt3A_164 = vector.broadcast %gt3A_163 : f32 to vector<512x2048xf32>
        %gt3A_165 = arith.cmpf ogt, %div3A_162, %gt3A_164 : vector<512x2048xf32>
        %jit3A_166 = arith.constant 1.000000e+00 : f32
        %jit3A_167 = arith.constant 0.000000e+00 : f32
        %broadcast_in_dim3A_168 = vector.broadcast %jit3A_166 : f32 to vector<512x2048xf32>
        %broadcast_in_dim3A_169 = vector.broadcast %jit3A_167 : f32 to vector<512x2048xf32>
        %select_n3A_170 = arith.select %gt3A_165, %broadcast_in_dim3A_168, %broadcast_in_dim3A_169 : vector<512x2048xi1>, vector<512x2048xf32>
        %dot_general3A = arith.constant dense<0.000000e+00> : vector<1x2048xf32>
        %dot_general3A_171 = tpu.matmul %while3A_80#0, %select_n3A_170, %dot_general3A {dimension_numbers = #tpu.dot_dimension_numbers<[1], [0], [0], [1], [0, 0, 1, 1], [], []>, transpose_lhs_hint = false} : vector<1x512xf32>, vector<512x2048xf32>, vector<1x2048xf32> -> vector<1x2048xf32>
        %iota3A_172 = tpu.iota {dimensions = array<i32: 1>} : vector<1x2048xi32>
        %add3A_173 = vector.broadcast %mul3A_118 : i32 to vector<1x2048xi32>
        %add3A_174 = arith.addi %add3A_173, %iota3A_172 : vector<1x2048xi32>
        %add3A_175 = arith.constant 512 : i32
        %add3A_176 = arith.addi %mul3A_25, %add3A_175 : i32
        %ge3A = vector.broadcast %add3A_176 : i32 to vector<1x2048xi32>
        %ge3A_177 = arith.cmpi sge, %add3A_174, %ge3A : vector<1x2048xi32>
        %get3A_178 = arith.constant 0 : index
        %get3A_179 = arith.index_cast %mul3A_118 : i32 to index
        %get3A_180 = vector.load %arg1[%get3A_178, %get3A_179] : memref<1x20480xf32, #tpu.memory_space<vmem>>, vector<1x2048xf32>
        %gt3A_181 = arith.constant 5.000000e-01 : f32
        %gt3A_182 = vector.broadcast %gt3A_181 : f32 to vector<1x2048xf32>
        %gt3A_183 = arith.cmpf ogt, %dot_general3A_171, %gt3A_182 : vector<1x2048xf32>
        %and3A_184 = arith.andi %gt3A_183, %ge3A_177 : vector<1x2048xi1>
        %jit3A_185 = arith.constant 0.000000e+00 : f32
        %broadcast_in_dim3A_186 = vector.broadcast %jit3A_185 : f32 to vector<1x2048xf32>
        %select_n3A_187 = arith.select %and3A_184, %broadcast_in_dim3A_186, %get3A_180 : vector<1x2048xi1>, vector<1x2048xf32>
        %swap3A_188 = arith.constant 0 : index
        %swap3A_189 = arith.index_cast %mul3A_118 : i32 to index
        %swap3A_190 = vector.load %arg1[%swap3A_188, %swap3A_189] : memref<1x20480xf32, #tpu.memory_space<vmem>>, vector<1x2048xf32>
        tpu.vector_store %arg1[%swap3A_188, %swap3A_189], %select_n3A_187 {strides = array<i32>} : memref<1x20480xf32, #tpu.memory_space<vmem>>, vector<1x2048xf32>,
      }
      %while3A_115 = arith.constant 1 : i32
      scf.for %while3A_116 = %while3A_113 to %while3A_109 step %while3A_115  : i32 {
        %mul3A_117 = arith.constant 2048 : i32
        %mul3A_118 = arith.muli %while3A_116, %mul3A_117 : i32
        %get3A_119 = arith.constant 0 : index
        %get3A_120 = arith.index_cast %mul3A_118 : i32 to index
        %get3A_121 = vector.load %arg0[%get3A_119, %get3A_120] : memref<8x20480xf32, #tpu.memory_space<vmem>>, vector<1x2048xf32>
        %get3A_122 = arith.constant 1 : index
        %get3A_123 = arith.index_cast %mul3A_118 : i32 to index
        %get3A_124 = vector.load %arg0[%get3A_122, %get3A_123] : memref<8x20480xf32, #tpu.memory_space<vmem>>, vector<1x2048xf32>
        %get3A_125 = arith.constant 2 : index
        %get3A_126 = arith.index_cast %mul3A_118 : i32 to index
        %get3A_127 = vector.load %arg0[%get3A_125, %get3A_126] : memref<8x20480xf32, #tpu.memory_space<vmem>>, vector<1x2048xf32>
        %get3A_128 = arith.constant 3 : index
        %get3A_129 = arith.index_cast %mul3A_118 : i32 to index
        %get3A_130 = vector.load %arg0[%get3A_128, %get3A_129] : memref<8x20480xf32, #tpu.memory_space<vmem>>, vector<1x2048xf32>
        %get3A_131 = arith.constant 0 : index
        %get3A_132 = arith.index_cast %mul3A_118 : i32 to index
        %get3A_133 = vector.load %arg2[%get3A_131, %get3A_132] : memref<1x20480xf32, #tpu.memory_space<vmem>>, vector<1x2048xf32>
        %max3A_134 = vector.broadcast %transpose3A : vector<512x1xf32> to vector<512x2048xf32>
        %max3A_135 = vector.broadcast %get3A_121 : vector<1x2048xf32> to vector<512x2048xf32>
        %max3A_136 = arith.maximumf %max3A_134, %max3A_135 : vector<512x2048xf32>
        %max3A_137 = vector.broadcast %transpose3A_41 : vector<512x1xf32> to vector<512x2048xf32>
        %max3A_138 = vector.broadcast %get3A_124 : vector<1x2048xf32> to vector<512x2048xf32>
        %max3A_139 = arith.maximumf %max3A_137, %max3A_138 : vector<512x2048xf32>
        %min3A_140 = vector.broadcast %transpose3A_42 : vector<512x1xf32> to vector<512x2048xf32>
        %min3A_141 = vector.broadcast %get3A_127 : vector<1x2048xf32> to vector<512x2048xf32>
        %min3A_142 = arith.minimumf %min3A_140, %min3A_141 : vector<512x2048xf32>
        %min3A_143 = vector.broadcast %transpose3A_43 : vector<512x1xf32> to vector<512x2048xf32>
        %min3A_144 = vector.broadcast %get3A_130 : vector<1x2048xf32> to vector<512x2048xf32>
        %min3A_145 = arith.minimumf %min3A_143, %min3A_144 : vector<512x2048xf32>
        %sub3A_146 = arith.subf %min3A_142, %max3A_136 : vector<512x2048xf32>
        %max3A_147 = arith.constant 0.000000e+00 : f32
        %max3A_148 = vector.broadcast %max3A_147 : f32 to vector<512x2048xf32>
        %max3A_149 = arith.maximumf %sub3A_146, %max3A_148 : vector<512x2048xf32>
        %sub3A_150 = arith.subf %min3A_145, %max3A_139 : vector<512x2048xf32>
        %max3A_151 = arith.constant 0.000000e+00 : f32
        %max3A_152 = vector.broadcast %max3A_151 : f32 to vector<512x2048xf32>
        %max3A_153 = arith.maximumf %sub3A_150, %max3A_152 : vector<512x2048xf32>
        %mul3A_154 = arith.mulf %max3A_149, %max3A_153 : vector<512x2048xf32>
        %add3A_155 = vector.broadcast %mul3A_46 : vector<512x1xf32> to vector<512x2048xf32>
        %add3A_156 = vector.broadcast %get3A_133 : vector<1x2048xf32> to vector<512x2048xf32>
        %add3A_157 = arith.addf %add3A_155, %add3A_156 : vector<512x2048xf32>
        %sub3A_158 = arith.subf %add3A_157, %mul3A_154 : vector<512x2048xf32>
        %max3A_159 = arith.constant 9.99999993E-9 : f32
        %max3A_160 = vector.broadcast %max3A_159 : f32 to vector<512x2048xf32>
        %max3A_161 = arith.maximumf %sub3A_158, %max3A_160 : vector<512x2048xf32>
        %div3A_162 = arith.divf %mul3A_154, %max3A_161 : vector<512x2048xf32>
        %gt3A_163 = arith.constant 0.699999988 : f32
        %gt3A_164 = vector.broadcast %gt3A_163 : f32 to vector<512x2048xf32>
        %gt3A_165 = arith.cmpf ogt, %div3A_162, %gt3A_164 : vector<512x2048xf32>
        %jit3A_166 = arith.constant 1.000000e+00 : f32
        %jit3A_167 = arith.constant 0.000000e+00 : f32
        %broadcast_in_dim3A_168 = vector.broadcast %jit3A_166 : f32 to vector<512x2048xf32>
        %broadcast_in_dim3A_169 = vector.broadcast %jit3A_167 : f32 to vector<512x2048xf32>
        %select_n3A_170 = arith.select %gt3A_165, %broadcast_in_dim3A_168, %broadcast_in_dim3A_169 : vector<512x2048xi1>, vector<512x2048xf32>
        %dot_general3A = arith.constant dense<0.000000e+00> : vector<1x2048xf32>
        %dot_general3A_171 = tpu.matmul %while3A_80#0, %select_n3A_170, %dot_general3A {dimension_numbers = #tpu.dot_dimension_numbers<[1], [0], [0], [1], [0, 0, 1, 1], [], []>, transpose_lhs_hint = false} : vector<1x512xf32>, vector<512x2048xf32>, vector<1x2048xf32> -> vector<1x2048xf32>
        %iota3A_172 = tpu.iota {dimensions = array<i32: 1>} : vector<1x2048xi32>
        %add3A_173 = vector.broadcast %mul3A_118 : i32 to vector<1x2048xi32>
        %add3A_174 = arith.addi %add3A_173, %iota3A_172 : vector<1x2048xi32>
        %add3A_175 = arith.constant 512 : i32
        %add3A_176 = arith.addi %mul3A_25, %add3A_175 : i32
        %ge3A = vector.broadcast %add3A_176 : i32 to vector<1x2048xi32>
        %ge3A_177 = arith.cmpi sge, %add3A_174, %ge3A : vector<1x2048xi32>
        %get3A_178 = arith.constant 0 : index
        %get3A_179 = arith.index_cast %mul3A_118 : i32 to index
        %get3A_180 = vector.load %arg1[%get3A_178, %get3A_179] : memref<1x20480xf32, #tpu.memory_space<vmem>>, vector<1x2048xf32>
        %gt3A_181 = arith.constant 5.000000e-01 : f32
        %gt3A_182 = vector.broadcast %gt3A_181 : f32 to vector<1x2048xf32>
        %gt3A_183 = arith.cmpf ogt, %dot_general3A_171, %gt3A_182 : vector<1x2048xf32>
        %and3A_184 = arith.andi %gt3A_183, %ge3A_177 : vector<1x2048xi1>
        %jit3A_185 = arith.constant 0.000000e+00 : f32
        %broadcast_in_dim3A_186 = vector.broadcast %jit3A_185 : f32 to vector<1x2048xf32>
        %select_n3A_187 = arith.select %and3A_184, %broadcast_in_dim3A_186, %get3A_180 : vector<1x2048xi1>, vector<1x2048xf32>
        %swap3A_188 = arith.constant 0 : index
        %swap3A_189 = arith.index_cast %mul3A_118 : i32 to index
        %swap3A_190 = vector.load %arg1[%swap3A_188, %swap3A_189] : memref<1x20480xf32, #tpu.memory_space<vmem>>, vector<1x2048xf32>
        tpu.vector_store %arg1[%swap3A_188, %swap3A_189], %select_n3A_187 {strides = array<i32>} : memref<1x20480xf32, #tpu.memory_space<vmem>>, vector<1x2048xf32>,
      }
    }
    %scan3A_22 = arith.constant 40 : i32
    return
  }
}

</mosaic_0001>

<sc_bundles>
// kernel: gather_offload_async_start
scs
__scs_entry_jumppad:
0x0: {  	(pc) =	sbr.rel $0x88, $3  }
0x1: {  	(tag) =	ssettag $0x0;
	lr =	simm.s32 $0x1  }
0x2: {  	[smem:$0x3F9F] =	sst lr;
	_ =	strace $0xD0000000  }
0x3: {  	_ = 	snop  }
0x4: {  	_ = 	snop  }
0x5: {  	_ = 	snop  }
0x6: {  	_ = 	snop  }
0x7: {  	_ = 	snop  }
__scs_overlays_trampoline_lowered:
0x8: {  	[smem:$0x3FAE] =	sst s0  }
0x9: {  	[smem:$0x3FAF] =	sst s1  }
0xa: {  	[smem:$0x3FB0] =	sst s2  }
0xb: {  	[smem:$0x3FB1] =	sst s3  }
0xc: {  	[smem:$0x3FB2] =	sst s4  }
0xd: {  	[smem:$0x3FB3] =	sst s5  }
0xe: {  	[smem:$0x3FB4] =	sst s6  }
0xf: {  	[smem:$0x3FB5] =	sst s7  }
0x10: {  	[smem:$0x3FB6] =	sst s8  }
0x11: {  	[smem:$0x3FB7] =	sst s9;
	s0 =	simm.s32 @!p0 $0x0  }
0x12: {  	s1 =	sld [smem:$0x3F9D];
	s0 =	simm.s32 @p0 $0x1  }
0x13: {  	[smem:$0x3FB8] =	sst s0;
	s0 =	simm.s32 @!p1 $0x0  }
0x14: {  	s2 =	sld [smem:$0x3F9C];
	s0 =	simm.s32 @p1 $0x1  }
0x15: {  	[smem:$0x3FB9] =	sst s0;
	s0 =	simm.s32 @!p2 $0x0  }
0x16: {  	s3 =	sld [smem:$0x3FDB];
	s0 =	simm.s32 @p2 $0x1  }
0x17: {  	s4 =	simm.s32 $0x1BF5;
	[smem:$0x3FBB] =	sst s0  }
0x18: {  	s0 =	sld [smem:$0x3F9E];
	_ =	swait.ge [sflag:s4], $0x0  }
0x19: {  	s7 =	sld [smem:$0x3F9F]  }
0x1a: {  	s8 =	sadd.s32 $0xFFFFE003, lr  }
0x1b: {  	s9 =	sadd.s32 $0xFFFFFEF7, lr;
	s5 =	simm.s32 $0xFFFFFFFF;
	p2 =	slt.u32 s8, $0xFFFFF086  }
0x1c: {  	p1 =	slt.u32 s9, $0xF7A;
	s5 =	simm.s32 @!p2 $0x0  }
0x1d: {  	s5 =	simm.s32 @p1 $0x1;
	p0 =	seq.s32 s7, s2  }
0x1e: {  	s7 =	smul.u32 @!p0 $0xF7A, s2;
	p2 =	seq.s32 @!p0 s5, $0x0  }
0x1f: {  	s9 =	smul.u32 $0xF7A, s1;
	s8 =	simm.s32 @!p0 $0x1BF5;
	p2 =	por !p2, p0  }
0x20: {  	[sflag:s8] =	ssyncset.s32 @!p0 $0xFFFFF086;
	s6 =	sadd.s32 @!p0 s3, s7;
	s7 =	simm.s32 @!p0 $0x108  }
0x21: {  	s3 =	sadd.s32 s3, s9;
	s6 =	sadd.s32 @!p0 $0x88, s6;
	s7 =	simm.s32 @p2 $0x1082  }
0x22: {  	[simem:s7], [sflag:s8] =	dma.local @!p0 [hbm:s6], $0xF7A  }
0x23: {  	s9 =	sor.u32 $0xD0000000, s2;
	s6 =	simm.s32 $0x108;
	_ =	swait.ge @!p0 [sflag:s8], $0x0  }
0x24: {  	s3 =	sadd.s32 $0x88, s3;
	s6 =	simm.s32 @!p1 $0x1082;
	[sflag:s4] =	ssyncset.s32 $0xFFFFF086  }
0x25: {  	[simem:s6], [sflag:s4] =	dma.local [hbm:s3], $0xF7A  }
0x26: {  	[smem:$0x3F9F] =	sst s1;
	(tag) =	ssettag s2;
	_ =	strace s9  }
0x27: {  	s1 =	sld [smem:$0x3FAF]  }
0x28: {  	s2 =	sld [smem:$0x3FB0]  }
0x29: {  	s4 =	sld [smem:$0x3FB2]  }
0x2a: {  	p0 =	seq.s32 s5, $0x0;
	s5 =	sld [smem:$0x3FB3]  }
0x2b: {  	s6 =	sld [smem:$0x3FB4]  }
0x2c: {  	s7 =	sld [smem:$0x3FB5]  }
0x2d: {  	s3 =	simm.s32 $0x108;
	s8 =	sld [smem:$0x3FB6]  }
0x2e: {  	s3 =	simm.s32 @!p0 $0x1082;
	s9 =	sld [smem:$0x3FB7]  }
0x2f: {  	lr =	sadd.s32 s0, s3;
	s0 =	sld [smem:$0x3FAE]  }
0x30: {  	s3 =	sld [smem:$0x3FB1]  }
0x31: {  	[smem:$0x3FBA] =	sst s10  }
0x32: {  	s10 =	sld [smem:$0x3FB8];
	_ =	sdelay $0x3  }
0x33: {  	p0 =	seq.s32 s10, $0x1;
	s10 =	sld [smem:$0x3FBA];
	_ =	sdelay $0x3  }
0x34: {  	[smem:$0x3FBA] =	sst s10  }
0x35: {  	s10 =	sld [smem:$0x3FB9];
	_ =	sdelay $0x3  }
0x36: {  	p1 =	seq.s32 s10, $0x1;
	s10 =	sld [smem:$0x3FBA];
	_ =	sdelay $0x3  }
0x37: {  	[smem:$0x3FBA] =	sst s10  }
0x38: {  	s10 =	sld [smem:$0x3FBB]  }
0x39: {  	_ = 	snop;
	(pc) =	sbr.ind lr, $3  }
0x3a: {  	_ = 	snop  }
0x3b: {  	_ = 	snop  }
0x3c: {  	p2 =	seq.s32 s10, $0x1;
	s10 =	sld [smem:$0x3FBA]  }
0x3d: {  	_ =	shalt  }
0x3e: {  	_ =	shalt  }
0x3f: {  	_ =	shalt  }
0x40: {  	_ =	shalt  }
0x41: {  	_ =	shalt  }
0x42: {  	_ =	shalt  }
0x43: {  	_ =	shalt  }
0x44: {  	_ =	shalt  }
0x45: {  	_ =	shalt  }
0x46: {  	_ =	shalt  }
0x47: {  	_ =	shalt  }
0x48: {  	_ =	shalt  }
0x49: {  	_ =	shalt  }
0x4a: {  	_ =	shalt  }
0x4b: {  	_ =	shalt  }
0x4c: {  	_ =	shalt  }
0x4d: {  	_ =	shalt  }
0x4e: {  	_ =	shalt  }
0x4f: {  	_ =	shalt  }
0x50: {  	_ =	shalt  }
0x51: {  	_ =	shalt  }
0x52: {  	_ =	shalt  }
0x53: {  	_ =	shalt  }
0x54: {  	_ =	shalt  }
0x55: {  	_ =	shalt  }
0x56: {  	_ =	shalt  }
0x57: {  	_ =	shalt  }
0x58: {  	_ =	shalt  }
0x59: {  	_ =	shalt  }
0x5a: {  	_ =	shalt  }
0x5b: {  	_ =	shalt  }
0x5c: {  	_ =	shalt  }
0x5d: {  	_ =	shalt  }
0x5e: {  	_ =	shalt  }
0x5f: {  	_ =	shalt  }
0x60: {  	_ =	shalt  }
0x61: {  	_ =	shalt  }
0x62: {  	_ =	shalt  }
0x63: {  	_ =	shalt  }
0x64: {  	_ =	shalt  }
0x65: {  	_ =	shalt  }
0x66: {  	_ =	shalt  }
0x67: {  	_ =	shalt  }
0x68: {  	_ =	shalt  }
0x69: {  	_ =	shalt  }
0x6a: {  	_ =	shalt  }
0x6b: {  	_ =	shalt  }
0x6c: {  	_ =	shalt  }
0x6d: {  	_ =	shalt  }
0x6e: {  	_ =	shalt  }
0x6f: {  	_ =	shalt  }
0x70: {  	_ =	shalt  }
0x71: {  	_ =	shalt  }
0x72: {  	_ =	shalt  }
0x73: {  	_ =	shalt  }
0x74: {  	_ =	shalt  }
0x75: {  	_ =	shalt  }
0x76: {  	_ =	shalt  }
0x77: {  	_ =	shalt  }
0x78: {  	_ =	shalt  }
0x79: {  	_ =	shalt  }
0x7a: {  	_ =	shalt  }
0x7b: {  	_ =	shalt  }
0x7c: {  	_ =	shalt  }
0x7d: {  	_ =	shalt  }
0x7e: {  	_ =	shalt  }
0x7f: {  	_ =	shalt  }
0x80: {  	_ =	shalt  }
0x81: {  	_ =	shalt  }
0x82: {  	_ =	shalt  }
0x83: {  	_ =	shalt  }
0x84: {  	_ =	shalt  }
0x85: {  	_ =	shalt  }
0x86: {  	_ =	shalt  }
0x87: {  	_ =	shalt  }
.Lfunc_end0:
.L_simem_size_0:
called_computation_lowered:
.L_overlay_start_0:
0x88: {  	s2 =	sld [smem:$0x3FD9]  }
0x89: {  	s3 =	sld [smem:$0x3FFE];
	_ =	sdelay $0x1  }
0x8a: {  	s1 =	srdreg.scid  }
0x8b: {  	s0 =	sand.u32 $0x1, s1  }
0x8c: {  	s14 =	sshll.u32 s0, $0xA;
	s2 =	sadd.s32 s3, s2  }
0x8d: {  	s2 =	sadd.s32 s2, s14  }
0x8e: {  	[smem:$0x3FC6] =	sst s2  }
0x8f: {  	_ = 	snop  }
0x90: {  	s2 =	sld [smem:$0x3FD0];
	_ =	sdelay $0x2  }
0x91: {  	s15 =	simm.s32 $0xA;
	s4 =	simm.s32 $0x10  }
0x92: {  	[smem:s4], [sflag:s15] =	dma.local [hbm:s2], $0x1  }
0x93: {  	_ =	swait.eq [sflag:s15], $0x1  }
0x94: {  	[sflag:s15] =	ssyncset.done $0x0  }
0x95: {  	[sflag:s15] =	ssyncadd.s32 $0xFFFFFFFF  }
0x96: {  	s16 =	sld [smem:$0x10];
	(tm) =	ssettm $0x1  }
0x97: {  	s17 =	sld [smem:$0x3FFB];
	_ =	sdelay $0x3  }
0x98: {  	_ =	strace s17  }
0x99: {  	s3 =	sld [smem:$0x3FFC];
	_ =	sdelay $0x3  }
0x9a: {  	_ =	strace s3  }
0x9b: {  	s3 =	sld [smem:$0x3FFD];
	_ =	sdelay $0x3  }
0x9c: {  	_ =	strace s3  }
0x9d: {  	_ =	strace $0x8FFFFFFF  }
0x9e: {  	s18 =	sld [smem:$0x3FDB];
	_ =	sdelay $0x1  }
0x9f: {  	s19 =	simm.s32 $_scs_section_size  }
0xa0: {  	s5 =	simm.s32 $_size__tile_overlayer_lowered;
	s6 =	simm.s32 $_tile_overlayer_lowered  }
0xa1: {  	s22 =	simm.s32 $0x1BFF;
	s21 =	sshll.u32 s6, $0x1;
	s3 =	sadd.s32 s19, s18  }
0xa2: {  	s7 =	simm.s32 $0x0;
	s20 =	sshll.u32 s5, $0x1;
	s5 =	sadd.s32 s21, s3  }
0xa3: {  	[timem:s7], [sflag:s22] =	dma.local [hbm:s5], s20  }
0xa4: {  	_ =	swait.ge [sflag:s22], s20  }
0xa5: {  	s4 =	ssub.s32 $0x0, s20;
	[sflag:s22] =	ssyncset.done $0x0  }
0xa6: {  	[sflag:s22] =	ssyncadd.s32 s4;
	_ =	sdelay $0x1  }
0xa7: {  	s23 =	simm.s32 $0x1B8B  }
0xa8: {  	_ =	swait.ge [sflag:s23], $0x1  }
0xa9: {  	[sflag:s23] =	ssyncset.done $0x0  }
0xaa: {  	s25 =	simm.s32 $0x1B8E;
	s24 =	sld [smem:$0x3FFE];
	[sflag:s23] =	ssyncadd.s32 $0xFFFFFFFF  }
0xab: {  	s26 =	simm.s32 $execute0_lowered;
	[smem:$0x3FD2] =	sst s25  }
0xac: {  	s5 =	sshll.u32 s26, $0x1;
	_ =	strace $0x80000046;
	[dreg:$0x1] =	wrdreg $0xFFFFFFFF  }
0xad: {  	s28 =	simm.s32 $_size_execute0_lowered;
	s3 =	sadd.s32 s3, s5;
	[dreg:$0x0] =	wrdreg $0x0  }
0xae: {  	s5 =	sshll.u32 s28, $0x1;
	[dreg:$0x2] =	wrdreg s3  }
0xaf: {  	[dreg:$0x3] =	wrdreg s5  }
0xb0: {  	[dreg:$0x4] =	wrdreg $0xC0  }
0xb1: {  	_ =	task [dreg:s7], $0x5FFFF  }
0xb2: {  	[dreg:$0x1] =	wrdreg $0xFFFFFFFF  }
0xb3: {  	[dreg:$0x0] =	wrdreg $0x60  }
0xb4: {  	[dreg:$0x2] =	wrdreg s24  }
0xb5: {  	[dreg:$0x3] =	wrdreg s16  }
0xb6: {  	[dreg:$0x4] =	wrdreg $0x9  }
0xb7: {  	_ =	task.clear_ibuf [dreg:s7], $0x5FFFF;
	_ =	strace $0x90000046  }
0xb8: {  	s29 =	simm.s32 $0x9;
	_ =	strace $0x80000048  }
0xb9: {  	_ =	swait.ge [sflag:s29], $0x1  }
0xba: {  	[sflag:s29] =	ssyncadd.s32 $0xFFFFFFFF  }
0xbb: {  	_ =	strace $0x90000048  }
0xbc: {  	_ =	sfence  }
0xbd: {  	s30 =	sld [smem:$0x0];
	_ =	sdelay $0x2  }
0xbe: {  	s31 =	sshll.u32 s1, $0xD;
	s1 =	sshrl.u32 s1, $0x2  }
0xbf: {  	s3 =	sand.u32 $0x4000, s31;
	s1 =	sadd.s32 s1, s30  }
0xc0: {  	s0 =	sor.u32 s3, s0;
	s1 =	sshll.u32 s1, $0x11  }
0xc1: {  	s0 =	sor.u32 s1, s0  }
0xc2: {  	s0 =	sadd.s32 $0x8F2B, s0  }
0xc3: {  	[sflag:s0] =	ssyncadd.remote.s32 $0x1  }
0xc4: {  	_ =	sfence.sel $0xFFFF  }
0xc5: {  	[dreg:$0x0] =	wrdreg $0xFFFFFFFF;
	(pc) =	sbr.abs _section_cstart, $3  }
0xc6: {  	[dreg:$0x1] =	wrdreg $0xFFFFFFFF  }
0xc7: {  	_ =	task.clear_ibuf [dreg:s7], $0x2FFFF;
	_ =	strace $0x9FFFFFFF  }
0xc8: {  	(tm) =	ssettm $0x7FFFFFFF  }
0xc9: {  	_ =	shalt  }
tec
execute0_lowered:
.L_overlay_start_1:
0x0: {  	(tag) =	ssettag $0x1  }
0x1: {  	s0 =	srdreg.scid  }
0x2: {  	s1 =	sshll.u32 s0, $0x4  }
0x3: {  	s0 =	stileid.u32;
	s1 =	sand.u32 $0x10, s1  }
0x4: {  	s2 =	sor.u32 s0, s1  }
0x5: {  	s1 =	smin.u32 s2, $0x12  }
0x6: {  	s1 =	sadd.s32 s2, s1  }
0x7: {  	p0 =	slt.u32 s2, $0x12;
	s2 =	simm.s32 $0x320;
	s1 =	smul.u32 $0x190, s1  }
0x8: {  	s2 =	simm.s32 @!p0 $0x190  }
0x9: {  	s2 =	sadd.s32 s2, s1  }
0xa: {  	s3 =	smin.u32 s2, $0x4E20  }
0xb: {  	s7 =	ssub.s32 s3, s1  }
0xc: {  	p0 =	sgt.s32 s7, $0x0  }
0xd: {  	s7 =	simm.s32 @!p0 $0x0  }
0xe: {  	s31 =	sand.u32 $0xFFF0, s7  }
0xf: {  	s2 =	sshrl.u32 s31, $0x4  }
0x10: {  	s4 =	rddreg [dreg:$0x0];
	s2 =	smul.u32 $0xA3E, s2  }
0x11: {  	s5 =	rddreg [dreg:$0x1]  }
0x12: {  	s6 =	simm.s32 $0x1;
	s10 =	simm.s32 $0x3;
	s8 =	sshrl.u32 s2, $0x10  }
0x13: {  	s13 =	simm.s32 $0x0;
	s12 =	simm.s32 $0x0;
	s9 =	smul.u32 $0x190, s8  }
.Ltmp0:
0x14: {  	s11 =	smov.u32 s1;
	s2 =	rddreg [dreg:$0x2];
	(pc) =	sbr.rel .LBB2_1-.Ltmp0, $4  }
0x15: {  	_ =	strace $0x80000047;
	p0 =	sne.s32 s7, s9;
	s9 =	simm.s32 $0x1  }
0x16: {  	[sflag:s6] =	ssyncpa.u1 $0x0;
	s7 =	simm.s32 $0x2;
	s9 =	simm.s32 @!p0 $0x0  }
0x17: {  	[sflag:s7] =	ssyncpa.u1 $0x0;
	p0 =	por $0x0, $0x0;
	s8 =	sadd.s32 s8, s9  }
0x18: {  	vm0 =	vmmov $0xff;
	vm1 =	vcmask $0x3F20;
	s9 =	sadd.s32 $0x4E200, s4;
	[sflag:s10] =	ssyncpa.u1 $0x0;
	s10 =	sadd.s32 $0x1, s8  }
.LBB2_6:
0x19: {  	[hbm:s17] =	stream.linear.scatter [tilespmem:s14], [sflag:$0x3], $0x400, $0x38;
	[tilespmem:$0x19320] =	vst v63  }
.LBB2_7:
0x1a: {  	s13 =	sadd.s32 $0x190, s11  }
0x1b: {  	s15 =	smov.u32 s1;
	p2 =	slt.s32 s13, s3  }
0x1c: {  	s15 =	smov.u32 @p2 s13;
	p2 =	sne.s32 s12, s10  }
.Ltmp1:
0x1d: {  	p1 =	slt.u32 s12, $0x2;
	(pc) =	sbr.rel @!p2 .LBB2_8-.Ltmp1, $4  }
0x1e: {  	s14 =	simm.s32 @!p1 $0x3  }
0x1f: {  	s16 =	sadd.s32 $0x1, s12;
	_ =	swait.ge @!p1 [sflag:s14], $0xC800  }
0x20: {  	p0 =	por !p0, !p0;
	s13 =	smov.u32 s11;
	[sflag:s14] =	ssyncset.done @!p1 $0x0  }
0x21: {  	s12 =	smov.u32 s16;
	s11 =	smov.u32 s15;
	[sflag:s14] =	ssyncadd.s32 @!p1 $0xFFFF3800  }
.LBB2_1:
0x22: {  	p1 =	sge.u32 s12, s8  }
0x23: {  	s14 =	sxor.u32 @!p1 $0xFFFFFFFF, s12  }
0x24: {  	s14 =	sand.u32 @!p1 $0x1, s14  }
0x25: {  	s14 =	smul.u32 @!p1 $0x640, s14  }
0x26: {  	s31 =	sadd.s32 $0xFFFFFFFF, s12;
	s15 =	sshrl.u32 @!p1 s11, $0x3  }
0x27: {  	s16 =	sand.u32 @!p1 $0x7, s11;
	s15 =	sadd.s32 @!p1 s5, s15;
	s14 =	sshrl.u32 @!p1 s14, $0x2  }
0x28: {  	[tilespmem:s14], [sflag:$0x2] =	stream.linear.gather @!p1 [hbm4b:s15+s16], $0x190, $0x38;
	[tilespmem:$0x19320] =	vst v63  }
0x29: {  	p1 =	sge.u32 s31, s8  }
.Ltmp2:
0x2a: {  	_ = 	snop;
	(pc) =	sbr.rel @p1 .LBB2_7-.Ltmp2, $1  }
0x2b: {  	_ =	sdelay $0x3  }
0x2c: {  	s14 =	simm.s32 $0x1  }
0x2d: {  	s14 =	simm.s32 @!p0 $0x0  }
0x2e: {  	s15 =	smul.u32 $0x640, s14  }
0x2f: {  	_ =	swait.ge [sflag:s7], $0x190  }
0x30: {  	[sflag:s7] =	ssyncset.done $0x0;
	s16 =	sshrl.u32 s15, $0x2  }
0x31: {  	[sflag:s7] =	ssyncadd.s32 $0xFFFFFE70;
	s15 =	sadd.s32 $0x0, s16  }
0x32: {  	v0 =	vld.msk [tilespmem:s15+$0x0 ss:$0x1], $0xffff;
	_ =	sdelay $0x4  }
0x33: {  	vm2 =	vgt.s32 v0, $0x0  }
0x34: {  	v0 =	vnsel vm2, $0x0, v0  }
0x35: {  	v0 =	vmin.u32 v0, $0x4E1F  }
0x36: {  	v0 =	vshll.u32 v0, $0x4  }
0x37: {  	s14 =	smul.u32 $0x32000, s14;
	_ =	sdelay $0x1  }
0x38: {  	s14 =	sshrl.u32 s14, $0x2  }
0x39: {  	s14 =	sor.u32 $0x320, s14  }
0x3a: {  	[tilespmem:s14], [sflag:$0x1] =	stream.indirect_vreg.gather [hbm:s4], $0x80, v0, vm0, $0x38;
	[tilespmem:$0x19320] =	vst v63  }
0x3b: {  	s17 =	sadd.s32 $0x10, s16;
	s15 =	sadd.s32 $0x400, s14  }
0x3c: {  	[tilespmem:s15], [sflag:$0x1] =	stream.indirect_vreg.gather [hbm:s4], $0x80, v0, vm1, $0x38;
	[tilespmem:$0x19320] =	vst v63  }
0x3d: {  	s18 =	simm.s32 $0x80;
	v0 =	vld.msk [tilespmem:s17+$0x0 ss:$0x1], $0xffff;
	s17 =	smov.u32 s14  }
.LBB2_3:
0x3e: {  	p1 =	sne.s32 s18, $0x600;
	_ =	sdelay $0x4  }
0x3f: {  	vm2 =	vgt.s32 v0, $0x0  }
0x40: {  	v0 =	vnsel vm2, $0x0, v0  }
0x41: {  	v0 =	vmin.u32 v0, $0x4E1F  }
0x42: {  	v0 =	vshll.u32 v0, $0x4;
	_ =	sdelay $0x3  }
.Ltmp3:
0x43: {  	s19 =	sshra.s32 s18, $0x2;
	s17 =	sadd.s32 $0x800, s17;
	(pc) =	sbr.rel @p1 .LBB2_3-.Ltmp3, $4  }
0x44: {  	[tilespmem:s17], [sflag:$0x1] =	stream.indirect_vreg.gather [hbm:s4], $0x80, v0, vm0, $0x38;
	[tilespmem:$0x19320] =	vst v63  }
0x45: {  	s19 =	sadd.s32 s19, s16;
	s20 =	sadd.s32 $0x400, s17  }
0x46: {  	[tilespmem:s20], [sflag:$0x1] =	stream.indirect_vreg.gather [hbm:s4], $0x80, v0, vm1, $0x38;
	[tilespmem:$0x19320] =	vst v63  }
0x47: {  	s18 =	sadd.s32 $0x40, s18;
	v0 =	vld.msk [tilespmem:s19+$0x0 ss:$0x1], $0xffff  }
0x48: {  	_ =	sdelay $0x3  }
0x49: {  	vm2 =	vgt.s32 v0, $0x0  }
0x4a: {  	v0 =	vnsel vm2, $0x0, v0  }
0x4b: {  	v0 =	vmin.u32 v0, $0x4E1F  }
0x4c: {  	v0 =	vshll.u32 v0, $0x4;
	_ =	sdelay $0x3  }
0x4d: {  	s16 =	sadd.s32 $0x800, s17  }
0x4e: {  	[tilespmem:s16], [sflag:$0x1] =	stream.indirect_vreg.gather [hbm:s4], $0x80, v0, vm0, $0x38;
	[tilespmem:$0x19320] =	vst v63  }
0x4f: {  	s16 =	sadd.s32 $0x400, s16  }
0x50: {  	[tilespmem:s16], [sflag:$0x1] =	stream.indirect_vreg.gather [hbm:s4], $0x80, v0, vm1, $0x38;
	[tilespmem:$0x19320] =	vst v63  }
0x51: {  	s13 =	sshll.u32 s13, $0x4;
	_ =	swait.ge [sflag:s6], $0xC800  }
0x52: {  	s13 =	sadd.s32 s13, s9;
	[sflag:s6] =	ssyncset.done $0x0  }
0x53: {  	s17 =	sadd.s32 $0x0, s13;
	s16 =	simm.s32 $0x80;
	[sflag:s6] =	ssyncadd.s32 $0xFFFF3800  }
.LBB2_5:
0x54: {  	[hbm:s17] =	stream.linear.scatter [tilespmem:s14], [sflag:$0x3], $0x400, $0x38;
	[tilespmem:$0x19320] =	vst v63  }
0x55: {  	s17 =	smov.u32 s16;
	s14 =	smov.u32 s15;
	p1 =	sne.s32 s16, $0x1880  }
.Ltmp4:
0x56: {  	s16 =	sadd.s32 $0x80, s16;
	(pc) =	sbr.rel @p1 .LBB2_5-.Ltmp4, $2  }
0x57: {  	_ =	sdelay $0x2  }
0x58: {  	s15 =	sadd.s32 $0x400, s15;
	s17 =	sadd.s32 s17, s13  }
.Ltmp5:
0x59: {  	_ = 	snop;
	(pc) =	sbr.rel .LBB2_6-.Ltmp5, $1  }
0x5a: {  	_ =	sdelay $0x3  }
.LBB2_8:
0x5b: {  	_ =	sfence.sel $0x180000  }
0x5c: {  	s1 =	simm.s32 $0x2;
	[bflag:$0x0] =	sbarrier.arrive $0xFFFF  }
0x5d: {  	s30 =	simm.s32 $0x3;
	[sflag:s1] =	ssyncpa.u1 $0x1  }
0x5e: {  	s31 =	simm.s32 $0x1;
	[sflag:s30] =	ssyncpa.u1 $0x1  }
0x5f: {  	[sflag:s31] =	ssyncpa.u1 $0x1  }
0x60: {  	p0 =	sne.s32 s0, $0x0;
	_ =	strace $0x90000047  }
0x61: {  	s0 =	sadd.s32 @!p0 $0x100000, s2;
	[bflag:$0x2] =	sbarrier.arrive $0xFFFF  }
0x62: {  	[sflag:s0] =	ssyncadd.tile.s32 @!p0 $0x1;
	_ =	shalt  }
.Lfunc_end2:
_tile_overlayer_lowered:
.L_overlay_start_2:
0x63: {  	(tag) =	ssettag $0x2  }
0x64: {  	s0 =	rddreg [dreg:$0x0];
	s2 =	stileid.u32  }
0x65: {  	s1 =	rddreg [dreg:$0x1];
	p0 =	sne.s32 s2, $0x0  }
0x66: {  	s3 =	rddreg [dreg:$0x2];
	[bflag:$0x3] =	sbarrier.arrive $0xFFFF;
	s2 =	simm.s32 @!p0 $0x1C01  }
0x67: {  	[timem:s3], [sflag:s2] =	dma.local @!p0 [hbm:s0], s1  }
0x68: {  	s0 =	simm.s32 @!p0 $0x1  }
0x69: {  	_ =	swait.ge @!p0 [sflag:s0], s1  }
0x6a: {  	s1 =	ssub.s32 @!p0 $0x0, s1;
	[sflag:s0] =	ssyncset.done @!p0 $0x0  }
0x6b: {  	[sflag:s0] =	ssyncadd.s32 @!p0 s1  }
0x6c: {  	[bflag:$0x3] =	sbarrier.arrive $0xFFFF  }
0x6d: {  	_ =	shalt  }

</sc_bundles>
